<compile_context>
chip_gen: v7x
topology: tpu7x:2x2x1
jax: 0.10.2.dev20260603
libtpu: 0.0.44.dev20260713+nightly
codegen_flags: <defaults>
</compile_context>

<pallas_src>
import functools

import jax
import jax.numpy as jnp
from jax import lax
from jax.experimental import pallas as pl
from jax.experimental.pallas import tpu as pltpu
from jax.experimental.pallas import tpu_sc as plsc

_SF = 2
_D = 28 * _SF
_DX = 172 * _SF
_DOUT = 3 * _D + _DX
_NTAB = 2112
_TW = 256
_BB = 128
_NC, _NS = 2, 16
_NW = _NC * _NS
_CHUNK = 256


def _prep_body(xt_ref, wt_ref, idx_ref, tab_ref):
    xt = xt_ref[...]
    idx = 105.0 * xt[0] + 21.0 * xt[1] + xt[2]
    idx_ref[...] = idx.astype(jnp.int32)
    r = lax.broadcasted_iota(jnp.int32, (_NTAB, 1), 0)
    t1 = r // 105
    t2 = (r // 21) % 5 + 20
    t3 = r % 21 + 25
    c = lax.broadcasted_iota(jnp.int32, (_NTAB, 64), 1)
    oh = ((c == t1) | (c == t2) | (c == t3)).astype(jnp.float32)
    tab_ref[...] = lax.dot_general(oh, wt_ref[...], (((1,), (0,)), ((), ())),
                                   preferred_element_type=jnp.float32)


def _make_sc_gather(n):
    per_w = n // _NW
    mesh = plsc.VectorSubcoreMesh(core_axis_name="c", subcore_axis_name="s")

    @functools.partial(
        pl.kernel,
        mesh=mesh,
        out_type=jax.ShapeDtypeStruct((n, _TW), jnp.float32),
        scratch_types=[
            pltpu.VMEM((_CHUNK,), jnp.int32),
            pltpu.VMEM((_CHUNK, _TW), jnp.float32),
            pltpu.SemaphoreType.DMA,
        ],
    )
    def sc_gather(tab_hbm, idx_hbm, out_hbm, idx_v, rows_v, sem):
        wid = lax.axis_index("s") * _NC + lax.axis_index("c")
        base = wid * per_w

        @pl.loop(0, per_w // _CHUNK)
        def _(it):
            off = base + it * _CHUNK
            pltpu.sync_copy(idx_hbm.at[pl.ds(off, _CHUNK)], idx_v)
            pltpu.async_copy(tab_hbm.at[idx_v], rows_v, sem).wait()
            pltpu.sync_copy(rows_v, out_hbm.at[pl.ds(off, _CHUNK)])

    return sc_gather


def _merge_body(xt_ref, wm_ref, g_ref, out_ref):
    xt = xt_ref[...]
    _, l, bb = xt.shape
    j = pl.program_id(1)
    c = lax.broadcasted_iota(jnp.int32, (8, l, bb), 0)
    feats = (c == 3).astype(jnp.float32)
    feats += jnp.where(c == 0, xt[3:4], 0.0)
    feats += jnp.where(c == 1, xt[4:5], 0.0)
    feats += jnp.where(c == 2, xt[5:6], 0.0)
    y = lax.dot_general(feats, wm_ref[...], (((0,), (0,)), ((), ())),
                        preferred_element_type=jnp.float32)
    y += g_ref[...] * jnp.where(j == 0, 1.0, 0.0)
    out_ref[...] = jnp.maximum(y, wm_ref[4:5, :][None])


def _pack_weights(amino_table, element_table, position_table, W_xyz, b_xyz):
    wt = jnp.zeros((64, _TW), dtype=jnp.float32)
    wt = wt.at[0:20, 0:_D].set(amino_table)
    wt = wt.at[20:25, _D:2 * _D].set(element_table)
    wt = wt.at[25:46, 2 * _D:3 * _D].set(position_table)
    wm = jnp.zeros((8, _DOUT), dtype=jnp.float32)
    wm = wm.at[0:3, 3 * _D:].set(W_xyz)
    wm = wm.at[3, 3 * _D:].set(b_xyz)
    wm = wm.at[4, 0:3 * _D].set(jnp.finfo(jnp.float32).min)
    return wt, wm


def kernel(x, amino_table, element_table, position_table, W_xyz, b_xyz):
    B, L, _ = x.shape
    n = B * L
    wt, wm = _pack_weights(amino_table, element_table, position_table, W_xyz,
                           b_xyz)
    xt = jnp.transpose(x, (2, 1, 0))

    idx2d, tab = pl.pallas_call(
        _prep_body,
        grid=(1,),
        in_specs=[
            pl.BlockSpec((6, L, B), lambda i: (0, 0, 0)),
            pl.BlockSpec((64, _TW), lambda i: (0, 0)),
        ],
        out_specs=[
            pl.BlockSpec((L, B), lambda i: (0, 0)),
            pl.BlockSpec((_NTAB, _TW), lambda i: (0, 0)),
        ],
        out_shape=[
            jax.ShapeDtypeStruct((L, B), jnp.int32),
            jax.ShapeDtypeStruct((_NTAB, _TW), jnp.float32),
        ],
    )(xt, wt)

    g = _make_sc_gather(n)(tab, idx2d.reshape(n))
    gv = g.reshape(L, B, _TW)

    out_t = pl.pallas_call(
        _merge_body,
        grid=(B // _BB, 2),
        in_specs=[
            pl.BlockSpec((6, L, _BB), lambda i, j: (0, 0, i)),
            pl.BlockSpec((8, _DOUT // 2), lambda i, j: (0, j)),
            pl.BlockSpec((L, _BB, _TW), lambda i, j: (0, i, 0)),
        ],
        out_specs=pl.BlockSpec((L, _BB, _DOUT // 2), lambda i, j: (0, i, j)),
        out_shape=jax.ShapeDtypeStruct((L, B, _DOUT), jnp.float32),
        compiler_params=pltpu.CompilerParams(
            dimension_semantics=("parallel", "arbitrary"),
        ),
    )(xt, wm, gv)
    return jnp.transpose(out_t, (1, 0, 2))

# --- scband reference (transcript-rebuilt; emitter-appended) ---
"""Pipeline reference for scband-abstract-rotomer-model-41592463294497 (READ-ONLY COPY).

The authoritative reference and input builder live on the scoring server;
editing this copy changes nothing except your own understanding.
"""

import jax, jax.numpy as jnp
import numpy as np

SF = 2
D = 28 * SF
DX = 172 * SF
B, L = 4096, 50


def setup_inputs(seed: int = 0) -> dict:
    key = jax.random.key(seed)
    ks = jax.random.split(key, 8)
    res = jax.random.randint(ks[0], (B, L), 0, 20).astype(jnp.float32)
    atom = jax.random.randint(ks[1], (B, L), 0, 5).astype(jnp.float32)
    cnt = jax.random.randint(ks[2], (B, L), 0, 21).astype(jnp.float32)
    xyz = jax.random.normal(ks[3], (B, L, 3), dtype=jnp.float32)
    x = jnp.concatenate([res[..., None], atom[..., None], cnt[..., None], xyz], axis=2)
    amino_table = jax.random.normal(ks[4], (20, D), dtype=jnp.float32)
    element_table = jax.random.normal(ks[5], (5, D), dtype=jnp.float32)
    position_table = jax.random.normal(ks[6], (21, D), dtype=jnp.float32)
    W_xyz = jax.random.normal(ks[7], (3, DX), dtype=jnp.float32) * (1.0 / np.sqrt(3.0))
    b_xyz = jnp.zeros((DX,), dtype=jnp.float32)
    return {
        "x": x,
        "amino_table": amino_table,
        "element_table": element_table,
        "position_table": position_table,
        "W_xyz": W_xyz,
        "b_xyz": b_xyz,
    }


def reference(x, amino_table, element_table, position_table, W_xyz, b_xyz):
    res_idx = x[:, :, 0].astype(jnp.int32)
    atom_idx = x[:, :, 1].astype(jnp.int32)
    cnt_idx = x[:, :, 2].astype(jnp.int32)
    res_enc = jnp.take(amino_table, res_idx, axis=0)
    atom_enc = jnp.take(element_table, atom_idx, axis=0)
    pos_enc = jnp.take(position_table, cnt_idx, axis=0)
    xyz_enc = jax.nn.relu(jnp.einsum('blc,cd->bld', x[:, :, 3:], W_xyz) + b_xyz)
    embedding = jnp.concatenate([res_enc, atom_enc, pos_enc, xyz_enc], axis=2)
    return embedding

if __name__ == "__main__":
    import jax
    _d = setup_inputs()
    print(jax.jit(kernel)(*tuple(_d.values())))

</pallas_src>

<mosaic_0001>
#map = affine_map<(d0, d1) -> (0, 0)>
#map1 = affine_map<(d0, d1) -> (0)>
module attributes {stable_mosaic.version = 14 : i64} {
  func.func @sc_gather(%arg0: i32, %arg1: i32, %arg2: memref<2112x256xf32, #tpu.memory_space<hbm>>, %arg3: memref<204800xi32, #tpu.memory_space<hbm>>, %arg4: memref<204800x256xf32, #tpu.memory_space<hbm>>, %arg5: memref<256xi32, #tpu.memory_space<vmem>>, %arg6: memref<256x256xf32, #tpu.memory_space<vmem>>, %arg7: memref<!tpu.dma_semaphore, #tpu.memory_space<semaphore_mem>>) attributes {dimension_semantics = [#tpu.dimension_semantics<core_parallel>, #tpu.dimension_semantics<subcore_parallel>], iteration_bounds = array<i64: 2, 16>, scalar_prefetch = 0 : i64, scratch_operands = 3 : i64, tpu.core_type = #tpu.core_type<sc_vector_subcore>, window_params = [{transform_indices = #map}, {transform_indices = #map1}, {transform_indices = #map}]} {
    %mul3A = arith.constant 2 : i32
    %mul3A_0 = arith.muli %arg1, %mul3A : i32
    %add3A = arith.addi %mul3A_0, %arg0 : i32
    %mul3A_1 = arith.constant 6400 : i32
    %mul3A_2 = arith.muli %add3A, %mul3A_1 : i32
    %scan3A = arith.constant 0 : i32
    %scan3A_3 = arith.constant 25 : i32
    %scan3A_4 = arith.addi %scan3A, %scan3A_3 : i32
    %scan3A_5 = arith.constant 1 : i32
    scf.for %scan3A_7 = %scan3A to %scan3A_4 step %scan3A_5  : i32 {
      %mul3A_8 = arith.constant 1 : i32
      %mul3A_9 = arith.muli %scan3A_7, %mul3A_8 : i32
      %add3A_10 = arith.constant 0 : i32
      %add3A_11 = arith.addi %add3A_10, %mul3A_9 : i32
      %mul3A_12 = arith.constant 256 : i32
      %mul3A_13 = arith.muli %add3A_11, %mul3A_12 : i32
      %add3A_14 = arith.addi %mul3A_2, %mul3A_13 : i32
      "tpu.region"() ({
        %run_scoped3A = tpu.sem_alloc : memref<!tpu.dma_semaphore, #tpu.memory_space<semaphore_mem>>
        %dma_start3A_19 = tpu.memref_slice %arg3[%add3A_14] : memref<204800xi32, #tpu.memory_space<hbm>> -> memref<256xi32, #tpu.memory_space<hbm>>
        %dma_start3A_20 = tpu.memref_slice %arg3[%add3A_14] : memref<204800xi32, #tpu.memory_space<hbm>> -> memref<256xi32, #tpu.memory_space<hbm>>
        tpu.enqueue_dma source(%dma_start3A_20 : memref<256xi32, #tpu.memory_space<hbm>>) target(%arg5 : memref<256xi32, #tpu.memory_space<vmem>>) target_semaphore(%run_scoped3A : memref<!tpu.dma_semaphore, #tpu.memory_space<semaphore_mem>>)
        %dma_wait3A_21 = tpu.memref_slice %arg3[%add3A_14] : memref<204800xi32, #tpu.memory_space<hbm>> -> memref<256xi32, #tpu.memory_space<hbm>>
        %dma_wait3A_22 = tpu.memref_slice %arg3[%add3A_14] : memref<204800xi32, #tpu.memory_space<hbm>> -> memref<256xi32, #tpu.memory_space<hbm>>
        tpu.wait_dma2 semaphore(%run_scoped3A : memref<!tpu.dma_semaphore, #tpu.memory_space<semaphore_mem>>) src(%dma_wait3A_22 : memref<256xi32, #tpu.memory_space<hbm>>) dst(%arg5 : memref<256xi32, #tpu.memory_space<vmem>>)
        tpu.yield
      }) : () -> ()
      %dma_start3A = arith.constant 0 : i32
      %dma_start3A_15 = arith.constant 0 : i32
      %dma_start3A_16 = tpu.memref_slice %arg2[%dma_start3A, %dma_start3A_15] : memref<2112x256xf32, #tpu.memory_space<hbm>> -> memref<2112x256xf32, #tpu.memory_space<hbm>>
      tpu.enqueue_indirect_dma source(%dma_start3A_16 : memref<2112x256xf32, #tpu.memory_space<hbm>>) target(%arg6 : memref<256x256xf32, #tpu.memory_space<vmem>>) offsets(%arg5 : memref<256xi32, #tpu.memory_space<vmem>>) semaphore(%arg7 : memref<!tpu.dma_semaphore, #tpu.memory_space<semaphore_mem>>)
      %dma_wait3A = arith.constant 0 : i32
      %dma_wait3A_17 = arith.constant 0 : i32
      %dma_wait3A_18 = tpu.memref_slice %arg2[%dma_wait3A, %dma_wait3A_17] : memref<2112x256xf32, #tpu.memory_space<hbm>> -> memref<2112x256xf32, #tpu.memory_space<hbm>>
      tpu.wait_indirect_dma semaphore(%arg7 : memref<!tpu.dma_semaphore, #tpu.memory_space<semaphore_mem>>) src(%dma_wait3A_18 : memref<2112x256xf32, #tpu.memory_space<hbm>>) dst(%arg6 : memref<256x256xf32, #tpu.memory_space<vmem>>)
      "tpu.region"() ({
        %run_scoped3A = tpu.sem_alloc : memref<!tpu.dma_semaphore, #tpu.memory_space<semaphore_mem>>
        %dma_start3A_19 = arith.constant 0 : i32
        %dma_start3A_20 = tpu.memref_slice %arg4[%add3A_14, %dma_start3A_19] : memref<204800x256xf32, #tpu.memory_space<hbm>> -> memref<256x256xf32, #tpu.memory_space<hbm>>
        %dma_start3A_21 = arith.constant 0 : i32
        %dma_start3A_22 = tpu.memref_slice %arg4[%add3A_14, %dma_start3A_21] : memref<204800x256xf32, #tpu.memory_space<hbm>> -> memref<256x256xf32, #tpu.memory_space<hbm>>
        tpu.enqueue_dma source(%arg6 : memref<256x256xf32, #tpu.memory_space<vmem>>) target(%dma_start3A_22 : memref<256x256xf32, #tpu.memory_space<hbm>>) target_semaphore(%run_scoped3A : memref<!tpu.dma_semaphore, #tpu.memory_space<semaphore_mem>>)
        %dma_wait3A_23 = arith.constant 0 : i32
        %dma_wait3A_24 = tpu.memref_slice %arg4[%add3A_14, %dma_wait3A_23] : memref<204800x256xf32, #tpu.memory_space<hbm>> -> memref<256x256xf32, #tpu.memory_space<hbm>>
        %dma_wait3A_25 = arith.constant 0 : i32
        %dma_wait3A_26 = tpu.memref_slice %arg4[%add3A_14, %dma_wait3A_25] : memref<204800x256xf32, #tpu.memory_space<hbm>> -> memref<256x256xf32, #tpu.memory_space<hbm>>
        tpu.wait_dma2 semaphore(%run_scoped3A : memref<!tpu.dma_semaphore, #tpu.memory_space<semaphore_mem>>) src(%arg6 : memref<256x256xf32, #tpu.memory_space<vmem>>) dst(%dma_wait3A_26 : memref<256x256xf32, #tpu.memory_space<hbm>>)
        tpu.yield
      }) : () -> ()
    }
    %scan3A_6 = arith.constant 25 : i32
    return
  }
}

module attributes {stable_mosaic.version = 14 : i64} {
  func.func @_prep_body(%arg0: i32, %arg1: memref<6x50x4096xf32, #tpu.memory_space<vmem>>, %arg2: memref<64x256xf32, #tpu.memory_space<vmem>>, %arg3: memref<50x4096xi32, #tpu.memory_space<vmem>>, %arg4: memref<2112x256xf32, #tpu.memory_space<vmem>>) attributes {dimension_semantics = [#tpu.dimension_semantics<arbitrary>], iteration_bounds = array<i64: 1>, scalar_prefetch = 0 : i64, scratch_operands = 0 : i64, tpu.core_type = #tpu.core_type<tc>, window_params = [{pipeline_mode = #tpu.pipeline_mode<synchronous>, transform_indices = @transform_0, window_bounds = array<i64: 6, 50, 4096>}, {pipeline_mode = #tpu.pipeline_mode<synchronous>, transform_indices = @transform_1, window_bounds = array<i64: 64, 256>}, {pipeline_mode = #tpu.pipeline_mode<synchronous>, transform_indices = @transform_2, window_bounds = array<i64: 50, 4096>}, {pipeline_mode = #tpu.pipeline_mode<synchronous>, transform_indices = @transform_3, window_bounds = array<i64: 2112, 256>}]} {
    %get3A = arith.constant 0 : index
    %get3A_0 = arith.constant 0 : index
    %get3A_1 = arith.constant 0 : index
    %get3A_2 = vector.load %arg1[%get3A, %get3A_0, %get3A_1] : memref<6x50x4096xf32, #tpu.memory_space<vmem>>, vector<6x50x4096xf32>
    %slice3A = vector.extract_strided_slice %get3A_2 {offsets = [0, 0, 0], sizes = [1, 50, 4096], strides = [1, 1, 1]} : vector<6x50x4096xf32> to vector<1x50x4096xf32>
    %squeeze3A = vector.shape_cast %slice3A : vector<1x50x4096xf32> to vector<50x4096xf32>
    %mul3A = arith.constant 1.050000e+02 : f32
    %mul3A_3 = vector.broadcast %mul3A : f32 to vector<50x4096xf32>
    %mul3A_4 = arith.mulf %mul3A_3, %squeeze3A : vector<50x4096xf32>
    %slice3A_5 = vector.extract_strided_slice %get3A_2 {offsets = [1, 0, 0], sizes = [1, 50, 4096], strides = [1, 1, 1]} : vector<6x50x4096xf32> to vector<1x50x4096xf32>
    %squeeze3A_6 = vector.shape_cast %slice3A_5 : vector<1x50x4096xf32> to vector<50x4096xf32>
    %mul3A_7 = arith.constant 2.100000e+01 : f32
    %mul3A_8 = vector.broadcast %mul3A_7 : f32 to vector<50x4096xf32>
    %mul3A_9 = arith.mulf %mul3A_8, %squeeze3A_6 : vector<50x4096xf32>
    %add3A = arith.addf %mul3A_4, %mul3A_9 : vector<50x4096xf32>
    %slice3A_10 = vector.extract_strided_slice %get3A_2 {offsets = [2, 0, 0], sizes = [1, 50, 4096], strides = [1, 1, 1]} : vector<6x50x4096xf32> to vector<1x50x4096xf32>
    %squeeze3A_11 = vector.shape_cast %slice3A_10 : vector<1x50x4096xf32> to vector<50x4096xf32>
    %add3A_12 = arith.addf %add3A, %squeeze3A_11 : vector<50x4096xf32>
    %convert_element_type3A = arith.fptosi %add3A_12 : vector<50x4096xf32> to vector<50x4096xi32>
    %swap3A = arith.constant 0 : index
    %swap3A_13 = arith.constant 0 : index
    %swap3A_14 = vector.load %arg3[%swap3A, %swap3A_13] : memref<50x4096xi32, #tpu.memory_space<vmem>>, vector<50x4096xi32>
    tpu.vector_store %arg3[%swap3A, %swap3A_13], %convert_element_type3A {strides = array<i32>} : memref<50x4096xi32, #tpu.memory_space<vmem>>, vector<50x4096xi32>,
    %iota3A = tpu.iota {dimensions = array<i32: 0>} : vector<2112x1xi32>
    %jit3A = arith.constant 105 : i32
    %div3A = vector.broadcast %jit3A : i32 to vector<2112x1xi32>
    %div3A_15 = arith.divsi %iota3A, %div3A : vector<2112x1xi32>
    %sign3A = arith.constant 0 : i32
    %sign3A_16 = vector.broadcast %sign3A : i32 to vector<2112x1xi32>
    %sign3A_17 = arith.cmpi sgt, %iota3A, %sign3A_16 : vector<2112x1xi32>
    %sign3A_18 = arith.extui %sign3A_17 : vector<2112x1xi1> to vector<2112x1xi32>
    %sign3A_19 = arith.constant 0 : i32
    %sign3A_20 = vector.broadcast %sign3A_19 : i32 to vector<2112x1xi32>
    %sign3A_21 = arith.cmpi slt, %iota3A, %sign3A_20 : vector<2112x1xi32>
    %sign3A_22 = arith.extui %sign3A_21 : vector<2112x1xi1> to vector<2112x1xi32>
    %sign3A_23 = arith.subi %sign3A_18, %sign3A_22 : vector<2112x1xi32>
    %sign3A_24 = arith.constant 0 : i32
    %sign3A_25 = arith.cmpi sgt, %jit3A, %sign3A_24 : i32
    %sign3A_26 = arith.extui %sign3A_25 : i1 to i32
    %sign3A_27 = arith.constant 0 : i32
    %sign3A_28 = arith.cmpi slt, %jit3A, %sign3A_27 : i32
    %sign3A_29 = arith.extui %sign3A_28 : i1 to i32
    %sign3A_30 = arith.subi %sign3A_26, %sign3A_29 : i32
    %ne3A = vector.broadcast %sign3A_30 : i32 to vector<2112x1xi32>
    %ne3A_31 = arith.cmpi ne, %sign3A_23, %ne3A : vector<2112x1xi32>
    %rem3A = vector.broadcast %jit3A : i32 to vector<2112x1xi32>
    %rem3A_32 = arith.remsi %iota3A, %rem3A : vector<2112x1xi32>
    %ne3A_33 = arith.constant 0 : i32
    %ne3A_34 = vector.broadcast %ne3A_33 : i32 to vector<2112x1xi32>
    %ne3A_35 = arith.cmpi ne, %rem3A_32, %ne3A_34 : vector<2112x1xi32>
    %and3A = arith.andi %ne3A_31, %ne3A_35 : vector<2112x1xi1>
    %sub3A = arith.constant 1 : i32
    %sub3A_36 = vector.broadcast %sub3A : i32 to vector<2112x1xi32>
    %sub3A_37 = arith.subi %div3A_15, %sub3A_36 : vector<2112x1xi32>
    %select_n3A = arith.select %and3A, %sub3A_37, %div3A_15 : vector<2112x1xi1>, vector<2112x1xi32>
    %jit3A_38 = arith.constant 21 : i32
    %div3A_39 = vector.broadcast %jit3A_38 : i32 to vector<2112x1xi32>
    %div3A_40 = arith.divsi %iota3A, %div3A_39 : vector<2112x1xi32>
    %sign3A_41 = arith.constant 0 : i32
    %sign3A_42 = vector.broadcast %sign3A_41 : i32 to vector<2112x1xi32>
    %sign3A_43 = arith.cmpi sgt, %iota3A, %sign3A_42 : vector<2112x1xi32>
    %sign3A_44 = arith.extui %sign3A_43 : vector<2112x1xi1> to vector<2112x1xi32>
    %sign3A_45 = arith.constant 0 : i32
    %sign3A_46 = vector.broadcast %sign3A_45 : i32 to vector<2112x1xi32>
    %sign3A_47 = arith.cmpi slt, %iota3A, %sign3A_46 : vector<2112x1xi32>
    %sign3A_48 = arith.extui %sign3A_47 : vector<2112x1xi1> to vector<2112x1xi32>
    %sign3A_49 = arith.subi %sign3A_44, %sign3A_48 : vector<2112x1xi32>
    %sign3A_50 = arith.constant 0 : i32
    %sign3A_51 = arith.cmpi sgt, %jit3A_38, %sign3A_50 : i32
    %sign3A_52 = arith.extui %sign3A_51 : i1 to i32
    %sign3A_53 = arith.constant 0 : i32
    %sign3A_54 = arith.cmpi slt, %jit3A_38, %sign3A_53 : i32
    %sign3A_55 = arith.extui %sign3A_54 : i1 to i32
    %sign3A_56 = arith.subi %sign3A_52, %sign3A_55 : i32
    %ne3A_57 = vector.broadcast %sign3A_56 : i32 to vector<2112x1xi32>
    %ne3A_58 = arith.cmpi ne, %sign3A_49, %ne3A_57 : vector<2112x1xi32>
    %rem3A_59 = vector.broadcast %jit3A_38 : i32 to vector<2112x1xi32>
    %rem3A_60 = arith.remsi %iota3A, %rem3A_59 : vector<2112x1xi32>
    %ne3A_61 = arith.constant 0 : i32
    %ne3A_62 = vector.broadcast %ne3A_61 : i32 to vector<2112x1xi32>
    %ne3A_63 = arith.cmpi ne, %rem3A_60, %ne3A_62 : vector<2112x1xi32>
    %and3A_64 = arith.andi %ne3A_58, %ne3A_63 : vector<2112x1xi1>
    %sub3A_65 = arith.constant 1 : i32
    %sub3A_66 = vector.broadcast %sub3A_65 : i32 to vector<2112x1xi32>
    %sub3A_67 = arith.subi %div3A_40, %sub3A_66 : vector<2112x1xi32>
    %select_n3A_68 = arith.select %and3A_64, %sub3A_67, %div3A_40 : vector<2112x1xi1>, vector<2112x1xi32>
    %jit3A_69 = arith.constant 5 : i32
    %eq3A = arith.constant 0 : i32
    %eq3A_70 = arith.cmpi eq, %jit3A_69, %eq3A : i32
    %jit3A_71 = arith.constant 1 : i32
    %select_n3A_72 = arith.select %eq3A_70, %jit3A_71, %jit3A_69 : i32
    %rem3A_73 = vector.broadcast %select_n3A_72 : i32 to vector<2112x1xi32>
    %rem3A_74 = arith.remsi %select_n3A_68, %rem3A_73 : vector<2112x1xi32>
    %ne3A_75 = arith.constant 0 : i32
    %ne3A_76 = vector.broadcast %ne3A_75 : i32 to vector<2112x1xi32>
    %ne3A_77 = arith.cmpi ne, %rem3A_74, %ne3A_76 : vector<2112x1xi32>
    %lt3A = arith.constant 0 : i32
    %lt3A_78 = vector.broadcast %lt3A : i32 to vector<2112x1xi32>
    %lt3A_79 = arith.cmpi slt, %rem3A_74, %lt3A_78 : vector<2112x1xi32>
    %lt3A_80 = arith.constant 0 : i32
    %lt3A_81 = arith.cmpi slt, %select_n3A_72, %lt3A_80 : i32
    %ne3A_82 = vector.broadcast %lt3A_81 : i1 to vector<2112x1xi1>
    %ne3A_83 = vector.broadcast %ne3A_82 : vector<2112x1xi1> to vector<2112x1xi1>
    %ne3A_84 = arith.xori %lt3A_79, %ne3A_83 : vector<2112x1xi1>
    %and3A_85 = arith.andi %ne3A_84, %ne3A_77 : vector<2112x1xi1>
    %add3A_86 = vector.broadcast %select_n3A_72 : i32 to vector<2112x1xi32>
    %add3A_87 = arith.addi %rem3A_74, %add3A_86 : vector<2112x1xi32>
    %select_n3A_88 = arith.select %and3A_85, %add3A_87, %rem3A_74 : vector<2112x1xi1>, vector<2112x1xi32>
    %add3A_89 = arith.constant 20 : i32
    %add3A_90 = vector.broadcast %add3A_89 : i32 to vector<2112x1xi32>
    %add3A_91 = arith.addi %select_n3A_88, %add3A_90 : vector<2112x1xi32>
    %jit3A_92 = arith.constant 21 : i32
    %eq3A_93 = arith.constant 0 : i32
    %eq3A_94 = arith.cmpi eq, %jit3A_92, %eq3A_93 : i32
    %jit3A_95 = arith.constant 1 : i32
    %select_n3A_96 = arith.select %eq3A_94, %jit3A_95, %jit3A_92 : i32
    %rem3A_97 = vector.broadcast %select_n3A_96 : i32 to vector<2112x1xi32>
    %rem3A_98 = arith.remsi %iota3A, %rem3A_97 : vector<2112x1xi32>
    %ne3A_99 = arith.constant 0 : i32
    %ne3A_100 = vector.broadcast %ne3A_99 : i32 to vector<2112x1xi32>
    %ne3A_101 = arith.cmpi ne, %rem3A_98, %ne3A_100 : vector<2112x1xi32>
    %lt3A_102 = arith.constant 0 : i32
    %lt3A_103 = vector.broadcast %lt3A_102 : i32 to vector<2112x1xi32>
    %lt3A_104 = arith.cmpi slt, %rem3A_98, %lt3A_103 : vector<2112x1xi32>
    %lt3A_105 = arith.constant 0 : i32
    %lt3A_106 = arith.cmpi slt, %select_n3A_96, %lt3A_105 : i32
    %ne3A_107 = vector.broadcast %lt3A_106 : i1 to vector<2112x1xi1>
    %ne3A_108 = vector.broadcast %ne3A_107 : vector<2112x1xi1> to vector<2112x1xi1>
    %ne3A_109 = arith.xori %lt3A_104, %ne3A_108 : vector<2112x1xi1>
    %and3A_110 = arith.andi %ne3A_109, %ne3A_101 : vector<2112x1xi1>
    %add3A_111 = vector.broadcast %select_n3A_96 : i32 to vector<2112x1xi32>
    %add3A_112 = arith.addi %rem3A_98, %add3A_111 : vector<2112x1xi32>
    %select_n3A_113 = arith.select %and3A_110, %add3A_112, %rem3A_98 : vector<2112x1xi1>, vector<2112x1xi32>
    %add3A_114 = arith.constant 25 : i32
    %add3A_115 = vector.broadcast %add3A_114 : i32 to vector<2112x1xi32>
    %add3A_116 = arith.addi %select_n3A_113, %add3A_115 : vector<2112x1xi32>
    %iota3A_117 = tpu.iota {dimensions = array<i32: 1>} : vector<2112x64xi32>
    %eq3A_118 = vector.broadcast %select_n3A : vector<2112x1xi32> to vector<2112x64xi32>
    %eq3A_119 = arith.cmpi eq, %iota3A_117, %eq3A_118 : vector<2112x64xi32>
    %eq3A_120 = vector.broadcast %add3A_91 : vector<2112x1xi32> to vector<2112x64xi32>
    %eq3A_121 = arith.cmpi eq, %iota3A_117, %eq3A_120 : vector<2112x64xi32>
    %or3A = arith.ori %eq3A_119, %eq3A_121 : vector<2112x64xi1>
    %eq3A_122 = vector.broadcast %add3A_116 : vector<2112x1xi32> to vector<2112x64xi32>
    %eq3A_123 = arith.cmpi eq, %iota3A_117, %eq3A_122 : vector<2112x64xi32>
    %or3A_124 = arith.ori %or3A, %eq3A_123 : vector<2112x64xi1>
    %convert_element_type3A_125 = arith.extui %or3A_124 : vector<2112x64xi1> to vector<2112x64xi32>
    %convert_element_type3A_126 = arith.sitofp %convert_element_type3A_125 : vector<2112x64xi32> to vector<2112x64xf32>
    %get3A_127 = arith.constant 0 : index
    %get3A_128 = arith.constant 0 : index
    %get3A_129 = vector.load %arg2[%get3A_127, %get3A_128] : memref<64x256xf32, #tpu.memory_space<vmem>>, vector<64x256xf32>
    %dot_general3A = arith.constant dense<0.000000e+00> : vector<2112x256xf32>
    %dot_general3A_130 = tpu.matmul %convert_element_type3A_126, %get3A_129, %dot_general3A {dimension_numbers = #tpu.dot_dimension_numbers<[1], [0], [0], [1], [0, 0, 1, 1], [], []>, transpose_lhs_hint = false} : vector<2112x64xf32>, vector<64x256xf32>, vector<2112x256xf32> -> vector<2112x256xf32>
    %swap3A_131 = arith.constant 0 : index
    %swap3A_132 = arith.constant 0 : index
    %swap3A_133 = vector.load %arg4[%swap3A_131, %swap3A_132] : memref<2112x256xf32, #tpu.memory_space<vmem>>, vector<2112x256xf32>
    tpu.vector_store %arg4[%swap3A_131, %swap3A_132], %dot_general3A_130 {strides = array<i32>} : memref<2112x256xf32, #tpu.memory_space<vmem>>, vector<2112x256xf32>,
    return
  }
  func.func @transform_0(%arg0: i32) -> (i32, i32, i32) {
    %c0_i32 = arith.constant 0 : i32
    %c0_i32_0 = arith.constant 0 : i32
    %c0_i32_1 = arith.constant 0 : i32
    %c0_i32_2 = arith.constant 0 : i32
    return %c0_i32, %c0_i32_0, %c0_i32_1 : i32, i32, i32
  }
  func.func @transform_1(%arg0: i32) -> (i32, i32) {
    %c0_i32 = arith.constant 0 : i32
    %c0_i32_0 = arith.constant 0 : i32
    %c0_i32_1 = arith.constant 0 : i32
    return %c0_i32, %c0_i32_0 : i32, i32
  }
  func.func @transform_2(%arg0: i32) -> (i32, i32) {
    %c0_i32 = arith.constant 0 : i32
    %c0_i32_0 = arith.constant 0 : i32
    %c0_i32_1 = arith.constant 0 : i32
    return %c0_i32, %c0_i32_0 : i32, i32
  }
  func.func @transform_3(%arg0: i32) -> (i32, i32) {
    %c0_i32 = arith.constant 0 : i32
    %c0_i32_0 = arith.constant 0 : i32
    %c0_i32_1 = arith.constant 0 : i32
    return %c0_i32, %c0_i32_0 : i32, i32
  }
}

module attributes {stable_mosaic.version = 14 : i64} {
  func.func @_merge_body(%arg0: i32, %arg1: i32, %arg2: memref<6x50x128xf32, #tpu.memory_space<vmem>>, %arg3: memref<8x256xf32, #tpu.memory_space<vmem>>, %arg4: memref<50x128x256xf32, #tpu.memory_space<vmem>>, %arg5: memref<50x128x256xf32, #tpu.memory_space<vmem>>) attributes {dimension_semantics = [#tpu.dimension_semantics<parallel>, #tpu.dimension_semantics<arbitrary>], iteration_bounds = array<i64: 32, 2>, scalar_prefetch = 0 : i64, scratch_operands = 0 : i64, tpu.core_type = #tpu.core_type<tc>, window_params = [{transform_indices = @transform_0, window_bounds = array<i64: 6, 50, 128>}, {transform_indices = @transform_1, window_bounds = array<i64: 8, 256>}, {transform_indices = @transform_2, window_bounds = array<i64: 50, 128, 256>}, {transform_indices = @transform_3, window_bounds = array<i64: 50, 128, 256>}]} {
    %get3A = arith.constant 0 : index
    %get3A_0 = arith.constant 0 : index
    %get3A_1 = arith.constant 0 : index
    %get3A_2 = vector.load %arg2[%get3A, %get3A_0, %get3A_1] : memref<6x50x128xf32, #tpu.memory_space<vmem>>, vector<6x50x128xf32>
    %iota3A = tpu.iota {dimensions = array<i32: 0>} : vector<8x50x128xi32>
    %eq3A = arith.constant 3 : i32
    %eq3A_3 = vector.broadcast %eq3A : i32 to vector<8x50x128xi32>
    %eq3A_4 = arith.cmpi eq, %iota3A, %eq3A_3 : vector<8x50x128xi32>
    %convert_element_type3A = arith.extui %eq3A_4 : vector<8x50x128xi1> to vector<8x50x128xi32>
    %convert_element_type3A_5 = arith.sitofp %convert_element_type3A : vector<8x50x128xi32> to vector<8x50x128xf32>
    %eq3A_6 = arith.constant 0 : i32
    %eq3A_7 = vector.broadcast %eq3A_6 : i32 to vector<8x50x128xi32>
    %eq3A_8 = arith.cmpi eq, %iota3A, %eq3A_7 : vector<8x50x128xi32>
    %slice3A = vector.extract_strided_slice %get3A_2 {offsets = [3, 0, 0], sizes = [1, 50, 128], strides = [1, 1, 1]} : vector<6x50x128xf32> to vector<1x50x128xf32>
    %jit3A = arith.constant 0.000000e+00 : f32
    %broadcast_in_dim3A = vector.shape_cast %slice3A : vector<1x50x128xf32> to vector<1x50x128xf32>
    %broadcast_in_dim3A_9 = vector.broadcast %broadcast_in_dim3A : vector<1x50x128xf32> to vector<8x50x128xf32>
    %broadcast_in_dim3A_10 = vector.broadcast %jit3A : f32 to vector<8x50x128xf32>
    %select_n3A = arith.select %eq3A_8, %broadcast_in_dim3A_9, %broadcast_in_dim3A_10 : vector<8x50x128xi1>, vector<8x50x128xf32>
    %add3A = arith.addf %convert_element_type3A_5, %select_n3A : vector<8x50x128xf32>
    %eq3A_11 = arith.constant 1 : i32
    %eq3A_12 = vector.broadcast %eq3A_11 : i32 to vector<8x50x128xi32>
    %eq3A_13 = arith.cmpi eq, %iota3A, %eq3A_12 : vector<8x50x128xi32>
    %slice3A_14 = vector.extract_strided_slice %get3A_2 {offsets = [4, 0, 0], sizes = [1, 50, 128], strides = [1, 1, 1]} : vector<6x50x128xf32> to vector<1x50x128xf32>
    %jit3A_15 = arith.constant 0.000000e+00 : f32
    %broadcast_in_dim3A_16 = vector.shape_cast %slice3A_14 : vector<1x50x128xf32> to vector<1x50x128xf32>
    %broadcast_in_dim3A_17 = vector.broadcast %broadcast_in_dim3A_16 : vector<1x50x128xf32> to vector<8x50x128xf32>
    %broadcast_in_dim3A_18 = vector.broadcast %jit3A_15 : f32 to vector<8x50x128xf32>
    %select_n3A_19 = arith.select %eq3A_13, %broadcast_in_dim3A_17, %broadcast_in_dim3A_18 : vector<8x50x128xi1>, vector<8x50x128xf32>
    %add3A_20 = arith.addf %add3A, %select_n3A_19 : vector<8x50x128xf32>
    %eq3A_21 = arith.constant 2 : i32
    %eq3A_22 = vector.broadcast %eq3A_21 : i32 to vector<8x50x128xi32>
    %eq3A_23 = arith.cmpi eq, %iota3A, %eq3A_22 : vector<8x50x128xi32>
    %slice3A_24 = vector.extract_strided_slice %get3A_2 {offsets = [5, 0, 0], sizes = [1, 50, 128], strides = [1, 1, 1]} : vector<6x50x128xf32> to vector<1x50x128xf32>
    %jit3A_25 = arith.constant 0.000000e+00 : f32
    %broadcast_in_dim3A_26 = vector.shape_cast %slice3A_24 : vector<1x50x128xf32> to vector<1x50x128xf32>
    %broadcast_in_dim3A_27 = vector.broadcast %broadcast_in_dim3A_26 : vector<1x50x128xf32> to vector<8x50x128xf32>
    %broadcast_in_dim3A_28 = vector.broadcast %jit3A_25 : f32 to vector<8x50x128xf32>
    %select_n3A_29 = arith.select %eq3A_23, %broadcast_in_dim3A_27, %broadcast_in_dim3A_28 : vector<8x50x128xi1>, vector<8x50x128xf32>
    %add3A_30 = arith.addf %add3A_20, %select_n3A_29 : vector<8x50x128xf32>
    %get3A_31 = arith.constant 0 : index
    %get3A_32 = arith.constant 0 : index
    %get3A_33 = vector.load %arg3[%get3A_31, %get3A_32] : memref<8x256xf32, #tpu.memory_space<vmem>>, vector<8x256xf32>
    %dot_general3A = arith.constant dense<0.000000e+00> : vector<50x128x256xf32>
    %dot_general3A_34 = tpu.matmul %add3A_30, %get3A_33, %dot_general3A {dimension_numbers = #tpu.dot_dimension_numbers<[0], [0], [1, 2], [1], [0, 1, 0, 2, 1, 1], [], []>, transpose_lhs_hint = false} : vector<8x50x128xf32>, vector<8x256xf32>, vector<50x128x256xf32> -> vector<50x128x256xf32>
    %get3A_35 = arith.constant 0 : index
    %get3A_36 = arith.constant 0 : index
    %get3A_37 = arith.constant 0 : index
    %get3A_38 = vector.load %arg4[%get3A_35, %get3A_36, %get3A_37] : memref<50x128x256xf32, #tpu.memory_space<vmem>>, vector<50x128x256xf32>
    %eq3A_39 = arith.constant 0 : i32
    %eq3A_40 = arith.cmpi eq, %arg1, %eq3A_39 : i32
    %jit3A_41 = arith.constant 1.000000e+00 : f32
    %jit3A_42 = arith.constant 0.000000e+00 : f32
    %select_n3A_43 = arith.select %eq3A_40, %jit3A_41, %jit3A_42 : f32
    %mul3A = vector.broadcast %select_n3A_43 : f32 to vector<50x128x256xf32>
    %mul3A_44 = arith.mulf %get3A_38, %mul3A : vector<50x128x256xf32>
    %add3A_45 = arith.addf %dot_general3A_34, %mul3A_44 : vector<50x128x256xf32>
    %get3A_46 = arith.constant 4 : index
    %get3A_47 = arith.constant 0 : index
    %get3A_48 = vector.load %arg3[%get3A_46, %get3A_47] : memref<8x256xf32, #tpu.memory_space<vmem>>, vector<1x256xf32>
    %broadcast_in_dim3A_49 = vector.shape_cast %get3A_48 : vector<1x256xf32> to vector<1x1x256xf32>
    %max3A = vector.broadcast %broadcast_in_dim3A_49 : vector<1x1x256xf32> to vector<50x128x256xf32>
    %max3A_50 = arith.maximumf %add3A_45, %max3A : vector<50x128x256xf32>
    %swap3A = arith.constant 0 : index
    %swap3A_51 = arith.constant 0 : index
    %swap3A_52 = arith.constant 0 : index
    %swap3A_53 = vector.load %arg5[%swap3A, %swap3A_51, %swap3A_52] : memref<50x128x256xf32, #tpu.memory_space<vmem>>, vector<50x128x256xf32>
    tpu.vector_store %arg5[%swap3A, %swap3A_51, %swap3A_52], %max3A_50 {strides = array<i32>} : memref<50x128x256xf32, #tpu.memory_space<vmem>>, vector<50x128x256xf32>,
    return
  }
  func.func @transform_0(%arg0: i32, %arg1: i32) -> (i32, i32, i32) {
    %c0_i32 = arith.constant 0 : i32
    %c0_i32_0 = arith.constant 0 : i32
    %c0_i32_1 = arith.constant 0 : i32
    return %c0_i32, %c0_i32_0, %arg0 : i32, i32, i32
  }
  func.func @transform_1(%arg0: i32, %arg1: i32) -> (i32, i32) {
    %c0_i32 = arith.constant 0 : i32
    %c0_i32_0 = arith.constant 0 : i32
    return %c0_i32, %arg1 : i32, i32
  }
  func.func @transform_2(%arg0: i32, %arg1: i32) -> (i32, i32, i32) {
    %c0_i32 = arith.constant 0 : i32
    %c0_i32_0 = arith.constant 0 : i32
    %c0_i32_1 = arith.constant 0 : i32
    return %c0_i32, %arg0, %c0_i32_0 : i32, i32, i32
  }
  func.func @transform_3(%arg0: i32, %arg1: i32) -> (i32, i32, i32) {
    %c0_i32 = arith.constant 0 : i32
    %c0_i32_0 = arith.constant 0 : i32
    return %c0_i32, %arg0, %arg1 : i32, i32, i32
  }
}

</mosaic_0001>

<sc_bundles>
// kernel: kernel.5.cloned.1.call-start
scs
__scs_entry_jumppad:
0x0: {  	(pc) =	sbr.rel $0x88, $3  }
0x1: {  	(tag) =	ssettag $0x0;
	lr =	simm.s32 $0x1  }
0x2: {  	[smem:$0x3F9B] =	sst lr;
	_ =	strace $0xD0000000  }
0x3: {  	_ = 	snop  }
0x4: {  	_ = 	snop  }
0x5: {  	_ = 	snop  }
0x6: {  	_ = 	snop  }
0x7: {  	_ = 	snop  }
__scs_overlays_trampoline_lowered:
0x8: {  	[smem:$0x3FAA] =	sst s0  }
0x9: {  	[smem:$0x3FAB] =	sst s1  }
0xa: {  	[smem:$0x3FAC] =	sst s2  }
0xb: {  	[smem:$0x3FAD] =	sst s3  }
0xc: {  	[smem:$0x3FAE] =	sst s4  }
0xd: {  	[smem:$0x3FAF] =	sst s5  }
0xe: {  	[smem:$0x3FB0] =	sst s6  }
0xf: {  	[smem:$0x3FB1] =	sst s7  }
0x10: {  	[smem:$0x3FB2] =	sst s8  }
0x11: {  	[smem:$0x3FB3] =	sst s9;
	s0 =	simm.s32 @!p0 $0x0  }
0x12: {  	s1 =	sld [smem:$0x3F99];
	s0 =	simm.s32 @p0 $0x1  }
0x13: {  	[smem:$0x3FB4] =	sst s0;
	s0 =	simm.s32 @!p1 $0x0  }
0x14: {  	s2 =	sld [smem:$0x3F98];
	s0 =	simm.s32 @p1 $0x1  }
0x15: {  	[smem:$0x3FB5] =	sst s0;
	s0 =	simm.s32 @!p2 $0x0  }
0x16: {  	s3 =	sld [smem:$0x3FDB];
	s0 =	simm.s32 @p2 $0x1  }
0x17: {  	s4 =	simm.s32 $0x1BF5;
	[smem:$0x3FB7] =	sst s0  }
0x18: {  	s0 =	sld [smem:$0x3F9A];
	_ =	swait.ge [sflag:s4], $0x0  }
0x19: {  	s7 =	sld [smem:$0x3F9B]  }
0x1a: {  	s8 =	sadd.s32 $0xFFFFE003, lr  }
0x1b: {  	s9 =	sadd.s32 $0xFFFFFEF7, lr;
	s5 =	simm.s32 $0xFFFFFFFF;
	p2 =	slt.u32 s8, $0xFFFFF086  }
0x1c: {  	p1 =	slt.u32 s9, $0xF7A;
	s5 =	simm.s32 @!p2 $0x0  }
0x1d: {  	s5 =	simm.s32 @p1 $0x1;
	p0 =	seq.s32 s7, s2  }
0x1e: {  	s7 =	smul.u32 @!p0 $0xF7A, s2;
	p2 =	seq.s32 @!p0 s5, $0x0  }
0x1f: {  	s9 =	smul.u32 $0xF7A, s1;
	s8 =	simm.s32 @!p0 $0x1BF5;
	p2 =	por !p2, p0  }
0x20: {  	[sflag:s8] =	ssyncset.s32 @!p0 $0xFFFFF086;
	s6 =	sadd.s32 @!p0 s3, s7;
	s7 =	simm.s32 @!p0 $0x108  }
0x21: {  	s3 =	sadd.s32 s3, s9;
	s6 =	sadd.s32 @!p0 $0x88, s6;
	s7 =	simm.s32 @p2 $0x1082  }
0x22: {  	[simem:s7], [sflag:s8] =	dma.local @!p0 [hbm:s6], $0xF7A  }
0x23: {  	s9 =	sor.u32 $0xD0000000, s2;
	s6 =	simm.s32 $0x108;
	_ =	swait.ge @!p0 [sflag:s8], $0x0  }
0x24: {  	s3 =	sadd.s32 $0x88, s3;
	s6 =	simm.s32 @!p1 $0x1082;
	[sflag:s4] =	ssyncset.s32 $0xFFFFF086  }
0x25: {  	[simem:s6], [sflag:s4] =	dma.local [hbm:s3], $0xF7A  }
0x26: {  	[smem:$0x3F9B] =	sst s1;
	(tag) =	ssettag s2;
	_ =	strace s9  }
0x27: {  	s1 =	sld [smem:$0x3FAB]  }
0x28: {  	s2 =	sld [smem:$0x3FAC]  }
0x29: {  	s4 =	sld [smem:$0x3FAE]  }
0x2a: {  	p0 =	seq.s32 s5, $0x0;
	s5 =	sld [smem:$0x3FAF]  }
0x2b: {  	s6 =	sld [smem:$0x3FB0]  }
0x2c: {  	s7 =	sld [smem:$0x3FB1]  }
0x2d: {  	s3 =	simm.s32 $0x108;
	s8 =	sld [smem:$0x3FB2]  }
0x2e: {  	s3 =	simm.s32 @!p0 $0x1082;
	s9 =	sld [smem:$0x3FB3]  }
0x2f: {  	lr =	sadd.s32 s0, s3;
	s0 =	sld [smem:$0x3FAA]  }
0x30: {  	s3 =	sld [smem:$0x3FAD]  }
0x31: {  	[smem:$0x3FB6] =	sst s10  }
0x32: {  	s10 =	sld [smem:$0x3FB4];
	_ =	sdelay $0x3  }
0x33: {  	p0 =	seq.s32 s10, $0x1;
	s10 =	sld [smem:$0x3FB6];
	_ =	sdelay $0x3  }
0x34: {  	[smem:$0x3FB6] =	sst s10  }
0x35: {  	s10 =	sld [smem:$0x3FB5];
	_ =	sdelay $0x3  }
0x36: {  	p1 =	seq.s32 s10, $0x1;
	s10 =	sld [smem:$0x3FB6];
	_ =	sdelay $0x3  }
0x37: {  	[smem:$0x3FB6] =	sst s10  }
0x38: {  	s10 =	sld [smem:$0x3FB7]  }
0x39: {  	_ = 	snop;
	(pc) =	sbr.ind lr, $3  }
0x3a: {  	_ = 	snop  }
0x3b: {  	_ = 	snop  }
0x3c: {  	p2 =	seq.s32 s10, $0x1;
	s10 =	sld [smem:$0x3FB6]  }
0x3d: {  	_ =	shalt  }
0x3e: {  	_ =	shalt  }
0x3f: {  	_ =	shalt  }
0x40: {  	_ =	shalt  }
0x41: {  	_ =	shalt  }
0x42: {  	_ =	shalt  }
0x43: {  	_ =	shalt  }
0x44: {  	_ =	shalt  }
0x45: {  	_ =	shalt  }
0x46: {  	_ =	shalt  }
0x47: {  	_ =	shalt  }
0x48: {  	_ =	shalt  }
0x49: {  	_ =	shalt  }
0x4a: {  	_ =	shalt  }
0x4b: {  	_ =	shalt  }
0x4c: {  	_ =	shalt  }
0x4d: {  	_ =	shalt  }
0x4e: {  	_ =	shalt  }
0x4f: {  	_ =	shalt  }
0x50: {  	_ =	shalt  }
0x51: {  	_ =	shalt  }
0x52: {  	_ =	shalt  }
0x53: {  	_ =	shalt  }
0x54: {  	_ =	shalt  }
0x55: {  	_ =	shalt  }
0x56: {  	_ =	shalt  }
0x57: {  	_ =	shalt  }
0x58: {  	_ =	shalt  }
0x59: {  	_ =	shalt  }
0x5a: {  	_ =	shalt  }
0x5b: {  	_ =	shalt  }
0x5c: {  	_ =	shalt  }
0x5d: {  	_ =	shalt  }
0x5e: {  	_ =	shalt  }
0x5f: {  	_ =	shalt  }
0x60: {  	_ =	shalt  }
0x61: {  	_ =	shalt  }
0x62: {  	_ =	shalt  }
0x63: {  	_ =	shalt  }
0x64: {  	_ =	shalt  }
0x65: {  	_ =	shalt  }
0x66: {  	_ =	shalt  }
0x67: {  	_ =	shalt  }
0x68: {  	_ =	shalt  }
0x69: {  	_ =	shalt  }
0x6a: {  	_ =	shalt  }
0x6b: {  	_ =	shalt  }
0x6c: {  	_ =	shalt  }
0x6d: {  	_ =	shalt  }
0x6e: {  	_ =	shalt  }
0x6f: {  	_ =	shalt  }
0x70: {  	_ =	shalt  }
0x71: {  	_ =	shalt  }
0x72: {  	_ =	shalt  }
0x73: {  	_ =	shalt  }
0x74: {  	_ =	shalt  }
0x75: {  	_ =	shalt  }
0x76: {  	_ =	shalt  }
0x77: {  	_ =	shalt  }
0x78: {  	_ =	shalt  }
0x79: {  	_ =	shalt  }
0x7a: {  	_ =	shalt  }
0x7b: {  	_ =	shalt  }
0x7c: {  	_ =	shalt  }
0x7d: {  	_ =	shalt  }
0x7e: {  	_ =	shalt  }
0x7f: {  	_ =	shalt  }
0x80: {  	_ =	shalt  }
0x81: {  	_ =	shalt  }
0x82: {  	_ =	shalt  }
0x83: {  	_ =	shalt  }
0x84: {  	_ =	shalt  }
0x85: {  	_ =	shalt  }
0x86: {  	_ =	shalt  }
0x87: {  	_ =	shalt  }
.Lfunc_end0:
.L_simem_size_0:
called_computation_lowered:
.L_overlay_start_0:
0x88: {  	s2 =	sld [smem:$0x3FD9]  }
0x89: {  	s3 =	sld [smem:$0x3FFE];
	_ =	sdelay $0x1  }
0x8a: {  	s1 =	srdreg.scid  }
0x8b: {  	s0 =	sand.u32 $0x1, s1  }
0x8c: {  	s17 =	sshll.u32 s0, $0xA;
	s2 =	sadd.s32 s3, s2  }
0x8d: {  	s2 =	sadd.s32 s2, s17  }
0x8e: {  	[smem:$0x3FC2] =	sst s2  }
0x8f: {  	_ = 	snop  }
0x90: {  	s2 =	sld [smem:$0x3FD0];
	(tm) =	ssettm $0x1  }
0x91: {  	s18 =	sld [smem:$0x3FFB];
	_ =	sdelay $0x3  }
0x92: {  	_ =	strace s18  }
0x93: {  	s3 =	sld [smem:$0x3FFC];
	_ =	sdelay $0x3  }
0x94: {  	_ =	strace s3  }
0x95: {  	s3 =	sld [smem:$0x3FFD];
	_ =	sdelay $0x3  }
0x96: {  	_ =	strace s3  }
0x97: {  	_ =	strace $0x8FFFFFFF  }
0x98: {  	s19 =	sld [smem:$0x3FDB];
	_ =	sdelay $0x1  }
0x99: {  	s4 =	simm.s32 $_scs_section_size  }
0x9a: {  	s5 =	simm.s32 $_size__tile_overlayer_lowered;
	s6 =	simm.s32 $_tile_overlayer_lowered  }
0x9b: {  	s22 =	simm.s32 $0x1BFF;
	s21 =	sshll.u32 s6, $0x1;
	s3 =	sadd.s32 s4, s19  }
0x9c: {  	s7 =	simm.s32 $0x0;
	s20 =	sshll.u32 s5, $0x1;
	s5 =	sadd.s32 s21, s3  }
0x9d: {  	[timem:s7], [sflag:s22] =	dma.local [hbm:s5], s20  }
0x9e: {  	_ =	swait.ge [sflag:s22], s20  }
0x9f: {  	s4 =	ssub.s32 $0x0, s20;
	[sflag:s22] =	ssyncset.done $0x0  }
0xa0: {  	[sflag:s22] =	ssyncadd.s32 s4;
	_ =	sdelay $0x1  }
0xa1: {  	s23 =	simm.s32 $0x1B8B  }
0xa2: {  	_ =	swait.ge [sflag:s23], $0x1  }
0xa3: {  	[sflag:s23] =	ssyncset.done $0x0  }
0xa4: {  	s25 =	simm.s32 $0x1B8E;
	s24 =	sld [smem:$0x3FFE];
	[sflag:s23] =	ssyncadd.s32 $0xFFFFFFFF  }
0xa5: {  	s26 =	simm.s32 $execute0_lowered;
	[smem:$0x3FD2] =	sst s25  }
0xa6: {  	s5 =	sshll.u32 s26, $0x1;
	_ =	strace $0x80000046;
	[dreg:$0x1] =	wrdreg $0xFFFFFFFF  }
0xa7: {  	s28 =	simm.s32 $_size_execute0_lowered;
	s3 =	sadd.s32 s3, s5;
	[dreg:$0x0] =	wrdreg $0x0  }
0xa8: {  	s5 =	sshll.u32 s28, $0x1;
	[dreg:$0x2] =	wrdreg s3  }
0xa9: {  	[dreg:$0x3] =	wrdreg s5  }
0xaa: {  	[dreg:$0x4] =	wrdreg $0xC0  }
0xab: {  	_ =	task [dreg:s7], $0x5FFFF  }
0xac: {  	[dreg:$0x1] =	wrdreg $0xFFFFFFFF  }
0xad: {  	[dreg:$0x0] =	wrdreg $0x60  }
0xae: {  	[dreg:$0x2] =	wrdreg s2  }
0xaf: {  	[dreg:$0x3] =	wrdreg s24  }
0xb0: {  	[dreg:$0x4] =	wrdreg $0x9  }
0xb1: {  	_ =	task.clear_ibuf [dreg:s7], $0x5FFFF;
	_ =	strace $0x90000046  }
0xb2: {  	s29 =	simm.s32 $0x9;
	_ =	strace $0x80000048  }
0xb3: {  	_ =	swait.ge [sflag:s29], $0x1  }
0xb4: {  	[sflag:s29] =	ssyncadd.s32 $0xFFFFFFFF  }
0xb5: {  	_ =	strace $0x90000048  }
0xb6: {  	_ =	sfence  }
0xb7: {  	s30 =	sld [smem:$0x0];
	_ =	sdelay $0x2  }
0xb8: {  	s31 =	sshll.u32 s1, $0xD;
	s1 =	sshrl.u32 s1, $0x2  }
0xb9: {  	s3 =	sand.u32 $0x4000, s31;
	s1 =	sadd.s32 s1, s30  }
0xba: {  	s0 =	sor.u32 s3, s0;
	s1 =	sshll.u32 s1, $0x11  }
0xbb: {  	s0 =	sor.u32 s1, s0  }
0xbc: {  	s0 =	sadd.s32 $0x8F2B, s0  }
0xbd: {  	[sflag:s0] =	ssyncadd.remote.s32 $0x1  }
0xbe: {  	_ =	sfence.sel $0xFFFF  }
0xbf: {  	[dreg:$0x0] =	wrdreg $0xFFFFFFFF;
	(pc) =	sbr.abs _section_cstart, $3  }
0xc0: {  	[dreg:$0x1] =	wrdreg $0xFFFFFFFF  }
0xc1: {  	_ =	task.clear_ibuf [dreg:s7], $0x2FFFF;
	_ =	strace $0x9FFFFFFF  }
0xc2: {  	(tm) =	ssettm $0x7FFFFFFF  }
0xc3: {  	_ =	shalt  }
tec
execute0_lowered:
.L_overlay_start_1:
0x0: {  	(tag) =	ssettag $0x1  }
0x1: {  	s0 =	srdreg.scid;
	s2 =	rddreg [dreg:$0x0]  }
0x2: {  	s5 =	stileid.u32;
	s4 =	rddreg [dreg:$0x1];
	s16 =	simm.s32 $0x900  }
0x3: {  	s18 =	simm.s32 $0x1100;
	s19 =	simm.s32 $0x1900;
	s20 =	simm.s32 $0x2100  }
0x4: {  	s21 =	simm.s32 $0x2900;
	s0 =	sand.u32 $0x1, s0;
	s1 =	smul.u32 $0x3200, s5  }
0x5: {  	s22 =	simm.s32 $0x3100;
	s23 =	simm.s32 $0x3900;
	s3 =	smul.u32 $0x1900, s0  }
0x6: {  	s24 =	simm.s32 $0x4100;
	s25 =	simm.s32 $0x4900;
	s7 =	simm.s32 $0x100  }
0x7: {  	s26 =	simm.s32 $0x5100;
	s1 =	sadd.s32 s3, s1;
	s3 =	simm.s32 $0x0  }
0x8: {  	s8 =	simm.s32 $0x5900;
	s9 =	simm.s32 $0x6100;
	[smem:$0x7FF] =	sst s3  }
0x9: {  	s10 =	simm.s32 $0x6900;
	_ =	strace $0x80000047;
	[dreg:$0x4] =	wrdreg s16  }
0xa: {  	s11 =	simm.s32 $0x7100;
	s5 =	smul.u32 $0x64000, s5;
	[dreg:$0x5] =	wrdreg s18  }
0xb: {  	s17 =	ssub.s32 $0x2, s0;
	s0 =	smul.u32 $0x32000, s0;
	[dreg:$0x6] =	wrdreg s19  }
0xc: {  	s12 =	simm.s32 $0x7900;
	s5 =	sadd.s32 s5, s4;
	[dreg:$0x7] =	wrdreg s20  }
0xd: {  	s13 =	simm.s32 $0x8100;
	s0 =	sadd.s32 s0, s5;
	[dreg:$0x8] =	wrdreg s21  }
0xe: {  	s14 =	simm.s32 $0x8900;
	s0 =	sadd.s32 $0x7400, s0;
	[dreg:$0x9] =	wrdreg s22  }
0xf: {  	s15 =	simm.s32 $0x9100;
	s28 =	simm.s32 $0xF100;
	[dreg:$0xf] =	wrdreg s0  }
0x10: {  	s29 =	simm.s32 $0xF900;
	s30 =	simm.s32 $0x1;
	[dreg:$0xa] =	wrdreg s23  }
0x11: {  	s31 =	simm.s32 $0x0;
	s1 =	sshrl.u32 s1, $0x3;
	[dreg:$0xb] =	wrdreg s24  }
0x12: {  	s6 =	sshrl.u32 s17, $0x1;
	s1 =	sadd.s32 s1, s4;
	[dreg:$0xc] =	wrdreg s25  }
0x13: {  	s4 =	ssub.s32 s17, s6;
	s6 =	simm.s32 $0x2;
	[dreg:$0xd] =	wrdreg s26  }
0x14: {  	s16 =	simm.s32 $0x9900;
	s17 =	simm.s32 $0xA100;
	s18 =	simm.s32 $0xA900  }
0x15: {  	s19 =	simm.s32 $0xB100;
	s20 =	simm.s32 $0xB900;
	s21 =	simm.s32 $0xC100  }
0x16: {  	v2 =	vlaneseq.u32;
	s22 =	simm.s32 $0xC900;
	s23 =	simm.s32 $0xD100;
	s1 =	sadd.s32 $0x1000, s1  }
0x17: {  	vm0 =	vmmov $0xffff;
	v1 =	vshrl.u32 v2, $0x3;
	s24 =	simm.s32 $0xD900;
	s4 =	smax.u32 s4, $0x1;
	[dreg:$0x3] =	wrdreg s1  }
0x18: {  	v0 =	vand.u32 $0x7, v2;
	v2 =	vor.u32 $0x8, v2;
	v1 =	vmul.u32 $0x8, v1;
	s25 =	simm.s32 $0xE100;
	s26 =	simm.s32 $0xE900;
	[dreg:$0xe] =	wrdreg s4  }
.LBB2_1:
0x19: {  	s5 =	rddreg [dreg:$0xf];
	s0 =	simm.s32 $0x0  }
.LBB2_2:
0x1a: {  	s4 =	rddreg [dreg:$0x3]  }
0x1b: {  	s4 =	sadd.s32 s0, s4  }
0x1c: {  	[tilespmem:s3], [sflag:$0x2] =	stream.linear.gather [hbm4b:s4+s3], $0x100, $0x38;
	[tilespmem:$0x10100] =	vst v63  }
0x1d: {  	_ =	swait.ge [sflag:s6], $0x100  }
0x1e: {  	[sflag:s6] =	ssyncset.done $0x0  }
0x1f: {  	[sflag:s6] =	ssyncadd.s32 $0xFFFFFF00  }
0x20: {  	v3 =	vld [tilespmem:$0x0];
	_ =	sdelay $0x4  }
0x21: {  	v4 =	vshll.u32 v3, $0x1  }
0x22: {  	v3 =	vand.u32 $0x7, v3;
	v4 =	vand.u32 $0xFFFFFFF0, v4  }
0x23: {  	v3 =	vor.u32 v3, v4  }
0x24: {  	v4 =	vperm.xlane v3, v0;
	_ =	sdelay $0x1  }
0x25: {  	v3 =	vperm.xlane v3, v2;
	v4 =	vadd.s32 v1, v4;
	_ =	sdelay $0x1  }
0x26: {  	v3 =	vadd.s32 v1, v3;
	_ =	sdelay $0x2  }
0x27: {  	[tilespmem:s7], [sflag:$0x1] =	stream.indirect_vreg.gather [hbm4b:s2+s3], $0x80, v4, vm0, $0xb8;
	[tilespmem:$0x10100] =	vst v63  }
0x28: {  	s1 =	rddreg [dreg:$0x4]  }
0x29: {  	[tilespmem:s1], [sflag:$0x1] =	stream.indirect_vreg.gather [hbm4b:s2+s3], $0x80, v3, vm0, $0xb8;
	[tilespmem:$0x10100] =	vst v63  }
0x2a: {  	v3 =	vld [tilespmem:$0x10];
	_ =	sdelay $0x4  }
0x2b: {  	v49 =	vshll.u32 v3, $0x1  }
0x2c: {  	v3 =	vand.u32 $0x7, v3;
	v4 =	vand.u32 $0xFFFFFFF0, v49  }
0x2d: {  	v3 =	vor.u32 v3, v4  }
0x2e: {  	v4 =	vperm.xlane v3, v0;
	_ =	sdelay $0x1  }
0x2f: {  	v3 =	vperm.xlane v3, v2;
	v4 =	vadd.s32 v1, v4;
	_ =	sdelay $0x1  }
0x30: {  	v3 =	vadd.s32 v1, v3;
	_ =	sdelay $0x1  }
0x31: {  	s4 =	rddreg [dreg:$0x5]  }
0x32: {  	[tilespmem:s4], [sflag:$0x1] =	stream.indirect_vreg.gather [hbm4b:s2+s3], $0x80, v4, vm0, $0xb8;
	[tilespmem:$0x10100] =	vst v63  }
0x33: {  	s1 =	rddreg [dreg:$0x6]  }
0x34: {  	[tilespmem:s1], [sflag:$0x1] =	stream.indirect_vreg.gather [hbm4b:s2+s3], $0x80, v3, vm0, $0xb8;
	[tilespmem:$0x10100] =	vst v63  }
0x35: {  	v3 =	vld [tilespmem:$0x20];
	_ =	sdelay $0x4  }
0x36: {  	v50 =	vshll.u32 v3, $0x1  }
0x37: {  	v3 =	vand.u32 $0x7, v3;
	v4 =	vand.u32 $0xFFFFFFF0, v50  }
0x38: {  	v3 =	vor.u32 v3, v4  }
0x39: {  	v4 =	vperm.xlane v3, v0;
	_ =	sdelay $0x1  }
0x3a: {  	v3 =	vperm.xlane v3, v2;
	v4 =	vadd.s32 v1, v4;
	_ =	sdelay $0x1  }
0x3b: {  	v3 =	vadd.s32 v1, v3;
	_ =	sdelay $0x1  }
0x3c: {  	s1 =	rddreg [dreg:$0x7]  }
0x3d: {  	[tilespmem:s1], [sflag:$0x1] =	stream.indirect_vreg.gather [hbm4b:s2+s3], $0x80, v4, vm0, $0xb8;
	[tilespmem:$0x10100] =	vst v63  }
0x3e: {  	s4 =	rddreg [dreg:$0x8]  }
0x3f: {  	[tilespmem:s4], [sflag:$0x1] =	stream.indirect_vreg.gather [hbm4b:s2+s3], $0x80, v3, vm0, $0xb8;
	[tilespmem:$0x10100] =	vst v63  }
0x40: {  	v3 =	vld [tilespmem:$0x30];
	_ =	sdelay $0x4  }
0x41: {  	v51 =	vshll.u32 v3, $0x1  }
0x42: {  	v3 =	vand.u32 $0x7, v3;
	v4 =	vand.u32 $0xFFFFFFF0, v51  }
0x43: {  	v3 =	vor.u32 v3, v4  }
0x44: {  	v4 =	vperm.xlane v3, v0;
	_ =	sdelay $0x1  }
0x45: {  	v3 =	vperm.xlane v3, v2;
	v4 =	vadd.s32 v1, v4;
	_ =	sdelay $0x1  }
0x46: {  	v3 =	vadd.s32 v1, v3;
	_ =	sdelay $0x1  }
0x47: {  	s1 =	rddreg [dreg:$0x9]  }
0x48: {  	[tilespmem:s1], [sflag:$0x1] =	stream.indirect_vreg.gather [hbm4b:s2+s3], $0x80, v4, vm0, $0xb8;
	[tilespmem:$0x10100] =	vst v63  }
0x49: {  	s4 =	rddreg [dreg:$0xa]  }
0x4a: {  	[tilespmem:s4], [sflag:$0x1] =	stream.indirect_vreg.gather [hbm4b:s2+s3], $0x80, v3, vm0, $0xb8;
	[tilespmem:$0x10100] =	vst v63  }
0x4b: {  	v3 =	vld [tilespmem:$0x40];
	_ =	sdelay $0x4  }
0x4c: {  	v52 =	vshll.u32 v3, $0x1  }
0x4d: {  	v3 =	vand.u32 $0x7, v3;
	v4 =	vand.u32 $0xFFFFFFF0, v52  }
0x4e: {  	v3 =	vor.u32 v3, v4  }
0x4f: {  	v4 =	vperm.xlane v3, v0;
	_ =	sdelay $0x1  }
0x50: {  	v3 =	vperm.xlane v3, v2;
	v4 =	vadd.s32 v1, v4;
	_ =	sdelay $0x1  }
0x51: {  	v3 =	vadd.s32 v1, v3;
	_ =	sdelay $0x1  }
0x52: {  	s1 =	rddreg [dreg:$0xb]  }
0x53: {  	[tilespmem:s1], [sflag:$0x1] =	stream.indirect_vreg.gather [hbm4b:s2+s3], $0x80, v4, vm0, $0xb8;
	[tilespmem:$0x10100] =	vst v63  }
0x54: {  	s4 =	rddreg [dreg:$0xc]  }
0x55: {  	[tilespmem:s4], [sflag:$0x1] =	stream.indirect_vreg.gather [hbm4b:s2+s3], $0x80, v3, vm0, $0xb8;
	[tilespmem:$0x10100] =	vst v63  }
0x56: {  	v3 =	vld [tilespmem:$0x50];
	_ =	sdelay $0x4  }
0x57: {  	v53 =	vshll.u32 v3, $0x1  }
0x58: {  	v3 =	vand.u32 $0x7, v3;
	v4 =	vand.u32 $0xFFFFFFF0, v53  }
0x59: {  	v3 =	vor.u32 v3, v4  }
0x5a: {  	v4 =	vperm.xlane v3, v0;
	_ =	sdelay $0x1  }
0x5b: {  	v3 =	vperm.xlane v3, v2;
	v4 =	vadd.s32 v1, v4;
	_ =	sdelay $0x1  }
0x5c: {  	v3 =	vadd.s32 v1, v3;
	_ =	sdelay $0x1  }
0x5d: {  	s4 =	rddreg [dreg:$0xd]  }
0x5e: {  	[tilespmem:s4], [sflag:$0x1] =	stream.indirect_vreg.gather [hbm4b:s2+s3], $0x80, v4, vm0, $0xb8;
	[tilespmem:$0x10100] =	vst v63  }
0x5f: {  	_ = 	snop  }
0x60: {  	[tilespmem:s8], [sflag:$0x1] =	stream.indirect_vreg.gather [hbm4b:s2+s3], $0x80, v3, vm0, $0xb8;
	[tilespmem:$0x10100] =	vst v63  }
0x61: {  	v3 =	vld [tilespmem:$0x60];
	_ =	sdelay $0x4  }
0x62: {  	v54 =	vshll.u32 v3, $0x1  }
0x63: {  	v3 =	vand.u32 $0x7, v3;
	v4 =	vand.u32 $0xFFFFFFF0, v54  }
0x64: {  	v3 =	vor.u32 v3, v4  }
0x65: {  	v4 =	vperm.xlane v3, v0;
	_ =	sdelay $0x1  }
0x66: {  	v3 =	vperm.xlane v3, v2;
	v4 =	vadd.s32 v1, v4;
	_ =	sdelay $0x1  }
0x67: {  	v3 =	vadd.s32 v1, v3;
	_ =	sdelay $0x2  }
0x68: {  	[tilespmem:s9], [sflag:$0x1] =	stream.indirect_vreg.gather [hbm4b:s2+s3], $0x80, v4, vm0, $0xb8;
	[tilespmem:$0x10100] =	vst v63  }
0x69: {  	_ = 	snop  }
0x6a: {  	[tilespmem:s10], [sflag:$0x1] =	stream.indirect_vreg.gather [hbm4b:s2+s3], $0x80, v3, vm0, $0xb8;
	[tilespmem:$0x10100] =	vst v63  }
0x6b: {  	v3 =	vld [tilespmem:$0x70];
	_ =	sdelay $0x4  }
0x6c: {  	v55 =	vshll.u32 v3, $0x1  }
0x6d: {  	v3 =	vand.u32 $0x7, v3;
	v4 =	vand.u32 $0xFFFFFFF0, v55  }
0x6e: {  	v3 =	vor.u32 v3, v4  }
0x6f: {  	v4 =	vperm.xlane v3, v0;
	_ =	sdelay $0x1  }
0x70: {  	v3 =	vperm.xlane v3, v2;
	v4 =	vadd.s32 v1, v4;
	_ =	sdelay $0x1  }
0x71: {  	v3 =	vadd.s32 v1, v3;
	_ =	sdelay $0x2  }
0x72: {  	[tilespmem:s11], [sflag:$0x1] =	stream.indirect_vreg.gather [hbm4b:s2+s3], $0x80, v4, vm0, $0xb8;
	[tilespmem:$0x10100] =	vst v63  }
0x73: {  	_ = 	snop  }
0x74: {  	[tilespmem:s12], [sflag:$0x1] =	stream.indirect_vreg.gather [hbm4b:s2+s3], $0x80, v3, vm0, $0xb8;
	[tilespmem:$0x10100] =	vst v63  }
0x75: {  	v3 =	vld [tilespmem:$0x80];
	_ =	sdelay $0x4  }
0x76: {  	v56 =	vshll.u32 v3, $0x1  }
0x77: {  	v3 =	vand.u32 $0x7, v3;
	v4 =	vand.u32 $0xFFFFFFF0, v56  }
0x78: {  	v3 =	vor.u32 v3, v4  }
0x79: {  	v4 =	vperm.xlane v3, v0;
	_ =	sdelay $0x1  }
0x7a: {  	v3 =	vperm.xlane v3, v2;
	v4 =	vadd.s32 v1, v4;
	_ =	sdelay $0x1  }
0x7b: {  	v3 =	vadd.s32 v1, v3;
	_ =	sdelay $0x2  }
0x7c: {  	[tilespmem:s13], [sflag:$0x1] =	stream.indirect_vreg.gather [hbm4b:s2+s3], $0x80, v4, vm0, $0xb8;
	[tilespmem:$0x10100] =	vst v63  }
0x7d: {  	_ = 	snop  }
0x7e: {  	[tilespmem:s14], [sflag:$0x1] =	stream.indirect_vreg.gather [hbm4b:s2+s3], $0x80, v3, vm0, $0xb8;
	[tilespmem:$0x10100] =	vst v63  }
0x7f: {  	v3 =	vld [tilespmem:$0x90];
	_ =	sdelay $0x4  }
0x80: {  	v57 =	vshll.u32 v3, $0x1  }
0x81: {  	v3 =	vand.u32 $0x7, v3;
	v4 =	vand.u32 $0xFFFFFFF0, v57  }
0x82: {  	v3 =	vor.u32 v3, v4  }
0x83: {  	v4 =	vperm.xlane v3, v0;
	_ =	sdelay $0x1  }
0x84: {  	v3 =	vperm.xlane v3, v2;
	v4 =	vadd.s32 v1, v4;
	_ =	sdelay $0x1  }
0x85: {  	v3 =	vadd.s32 v1, v3;
	_ =	sdelay $0x2  }
0x86: {  	[tilespmem:s15], [sflag:$0x1] =	stream.indirect_vreg.gather [hbm4b:s2+s3], $0x80, v4, vm0, $0xb8;
	[tilespmem:$0x10100] =	vst v63  }
0x87: {  	_ = 	snop  }
0x88: {  	[tilespmem:s16], [sflag:$0x1] =	stream.indirect_vreg.gather [hbm4b:s2+s3], $0x80, v3, vm0, $0xb8;
	[tilespmem:$0x10100] =	vst v63  }
0x89: {  	v3 =	vld [tilespmem:$0xA0];
	_ =	sdelay $0x4  }
0x8a: {  	v58 =	vshll.u32 v3, $0x1  }
0x8b: {  	v3 =	vand.u32 $0x7, v3;
	v4 =	vand.u32 $0xFFFFFFF0, v58  }
0x8c: {  	v3 =	vor.u32 v3, v4  }
0x8d: {  	v4 =	vperm.xlane v3, v0;
	_ =	sdelay $0x1  }
0x8e: {  	v3 =	vperm.xlane v3, v2;
	v4 =	vadd.s32 v1, v4;
	_ =	sdelay $0x1  }
0x8f: {  	v3 =	vadd.s32 v1, v3;
	_ =	sdelay $0x2  }
0x90: {  	[tilespmem:s17], [sflag:$0x1] =	stream.indirect_vreg.gather [hbm4b:s2+s3], $0x80, v4, vm0, $0xb8;
	[tilespmem:$0x10100] =	vst v63  }
0x91: {  	_ = 	snop  }
0x92: {  	[tilespmem:s18], [sflag:$0x1] =	stream.indirect_vreg.gather [hbm4b:s2+s3], $0x80, v3, vm0, $0xb8;
	[tilespmem:$0x10100] =	vst v63  }
0x93: {  	v3 =	vld [tilespmem:$0xB0];
	_ =	sdelay $0x4  }
0x94: {  	v59 =	vshll.u32 v3, $0x1  }
0x95: {  	v3 =	vand.u32 $0x7, v3;
	v4 =	vand.u32 $0xFFFFFFF0, v59  }
0x96: {  	v3 =	vor.u32 v3, v4  }
0x97: {  	v4 =	vperm.xlane v3, v0;
	_ =	sdelay $0x1  }
0x98: {  	v3 =	vperm.xlane v3, v2;
	v4 =	vadd.s32 v1, v4;
	_ =	sdelay $0x1  }
0x99: {  	v3 =	vadd.s32 v1, v3;
	_ =	sdelay $0x2  }
0x9a: {  	[tilespmem:s19], [sflag:$0x1] =	stream.indirect_vreg.gather [hbm4b:s2+s3], $0x80, v4, vm0, $0xb8;
	[tilespmem:$0x10100] =	vst v63  }
0x9b: {  	_ = 	snop  }
0x9c: {  	[tilespmem:s20], [sflag:$0x1] =	stream.indirect_vreg.gather [hbm4b:s2+s3], $0x80, v3, vm0, $0xb8;
	[tilespmem:$0x10100] =	vst v63  }
0x9d: {  	v3 =	vld [tilespmem:$0xC0];
	_ =	sdelay $0x4  }
0x9e: {  	v60 =	vshll.u32 v3, $0x1  }
0x9f: {  	v3 =	vand.u32 $0x7, v3;
	v4 =	vand.u32 $0xFFFFFFF0, v60  }
0xa0: {  	v3 =	vor.u32 v3, v4  }
0xa1: {  	v4 =	vperm.xlane v3, v0;
	_ =	sdelay $0x1  }
0xa2: {  	v3 =	vperm.xlane v3, v2;
	v4 =	vadd.s32 v1, v4;
	_ =	sdelay $0x1  }
0xa3: {  	v3 =	vadd.s32 v1, v3;
	_ =	sdelay $0x2  }
0xa4: {  	[tilespmem:s21], [sflag:$0x1] =	stream.indirect_vreg.gather [hbm4b:s2+s3], $0x80, v4, vm0, $0xb8;
	[tilespmem:$0x10100] =	vst v63  }
0xa5: {  	_ = 	snop  }
0xa6: {  	[tilespmem:s22], [sflag:$0x1] =	stream.indirect_vreg.gather [hbm4b:s2+s3], $0x80, v3, vm0, $0xb8;
	[tilespmem:$0x10100] =	vst v63  }
0xa7: {  	v3 =	vld [tilespmem:$0xD0];
	_ =	sdelay $0x4  }
0xa8: {  	v61 =	vshll.u32 v3, $0x1  }
0xa9: {  	v3 =	vand.u32 $0x7, v3;
	v4 =	vand.u32 $0xFFFFFFF0, v61  }
0xaa: {  	v3 =	vor.u32 v3, v4  }
0xab: {  	v4 =	vperm.xlane v3, v0;
	_ =	sdelay $0x1  }
0xac: {  	v3 =	vperm.xlane v3, v2;
	v4 =	vadd.s32 v1, v4;
	_ =	sdelay $0x1  }
0xad: {  	v3 =	vadd.s32 v1, v3;
	_ =	sdelay $0x2  }
0xae: {  	[tilespmem:s23], [sflag:$0x1] =	stream.indirect_vreg.gather [hbm4b:s2+s3], $0x80, v4, vm0, $0xb8;
	[tilespmem:$0x10100] =	vst v63  }
0xaf: {  	_ = 	snop  }
0xb0: {  	[tilespmem:s24], [sflag:$0x1] =	stream.indirect_vreg.gather [hbm4b:s2+s3], $0x80, v3, vm0, $0xb8;
	[tilespmem:$0x10100] =	vst v63  }
0xb1: {  	v3 =	vld [tilespmem:$0xE0];
	_ =	sdelay $0x4  }
0xb2: {  	v62 =	vshll.u32 v3, $0x1  }
0xb3: {  	v3 =	vand.u32 $0x7, v3;
	v4 =	vand.u32 $0xFFFFFFF0, v62  }
0xb4: {  	v3 =	vor.u32 v3, v4  }
0xb5: {  	v4 =	vperm.xlane v3, v0;
	_ =	sdelay $0x1  }
0xb6: {  	v3 =	vperm.xlane v3, v2;
	v4 =	vadd.s32 v1, v4;
	_ =	sdelay $0x1  }
0xb7: {  	v3 =	vadd.s32 v1, v3;
	_ =	sdelay $0x2  }
0xb8: {  	[tilespmem:s25], [sflag:$0x1] =	stream.indirect_vreg.gather [hbm4b:s2+s3], $0x80, v4, vm0, $0xb8;
	[tilespmem:$0x10100] =	vst v63  }
0xb9: {  	_ = 	snop  }
0xba: {  	[tilespmem:s26], [sflag:$0x1] =	stream.indirect_vreg.gather [hbm4b:s2+s3], $0x80, v3, vm0, $0xb8;
	[tilespmem:$0x10100] =	vst v63  }
0xbb: {  	v3 =	vld [tilespmem:$0xF0];
	_ =	sdelay $0x4  }
0xbc: {  	v63 =	vshll.u32 v3, $0x1  }
0xbd: {  	v3 =	vand.u32 $0x7, v3;
	v4 =	vand.u32 $0xFFFFFFF0, v63  }
0xbe: {  	v3 =	vor.u32 v3, v4  }
0xbf: {  	v4 =	vperm.xlane v3, v0;
	_ =	sdelay $0x1  }
0xc0: {  	v3 =	vperm.xlane v3, v2;
	v4 =	vadd.s32 v1, v4;
	_ =	sdelay $0x1  }
0xc1: {  	v3 =	vadd.s32 v1, v3;
	_ =	sdelay $0x2  }
0xc2: {  	[tilespmem:s28], [sflag:$0x1] =	stream.indirect_vreg.gather [hbm4b:s2+s3], $0x80, v4, vm0, $0xb8;
	[tilespmem:$0x10100] =	vst v63  }
0xc3: {  	_ = 	snop  }
0xc4: {  	[tilespmem:s29], [sflag:$0x1] =	stream.indirect_vreg.gather [hbm4b:s2+s3], $0x80, v3, vm0, $0xb8;
	[tilespmem:$0x10100] =	vst v63  }
0xc5: {  	_ =	swait.ge [sflag:s30], $0x10000  }
0xc6: {  	p0 =	sne.s32 s0, $0x300;
	[sflag:s30] =	ssyncset.done $0x0  }
.Ltmp0:
0xc7: {  	[sflag:s30] =	ssyncadd.s32 $0xFFFF0000;
	(pc) =	sbr.rel @p0 .LBB2_2-.Ltmp0, $4  }
0xc8: {  	[hbm4b:s5+s3] =	stream.linear.scatter [tilespmem:s7], [sflag:$0x2], $0x10000, $0x38;
	[tilespmem:$0x10100] =	vst v63  }
0xc9: {  	_ =	swait.ge [sflag:s6], $0x10000  }
0xca: {  	[sflag:s6] =	ssyncset.done $0x0  }
0xcb: {  	s0 =	sadd.s32 $0x20, s0;
	s5 =	sadd.s32 $0x2000, s5;
	[sflag:s6] =	ssyncadd.s32 $0xFFFF0000  }
0xcc: {  	s31 =	sadd.s32 $0x1, s31;
	s0 =	rddreg [dreg:$0xe]  }
0xcd: {  	p0 =	sne.s32 s31, s0  }
.Ltmp1:
0xce: {  	_ = 	snop;
	(pc) =	sbr.rel @p0 .LBB2_1-.Ltmp1, $1  }
0xcf: {  	_ =	sdelay $0x3  }
0xd0: {  	_ =	sfence.sel $0x180000  }
0xd1: {  	[bflag:$0x0] =	sbarrier.arrive $0xFFFF  }
0xd2: {  	_ =	strace $0x90000047  }
0xd3: {  	s0 =	stileid.u32;
	[bflag:$0x2] =	sbarrier.arrive $0xFFFF  }
0xd4: {  	p0 =	sne.s32 s0, $0x0;
	s0 =	rddreg [dreg:$0x2]  }
0xd5: {  	s0 =	sadd.s32 @!p0 $0x100000, s0  }
0xd6: {  	[sflag:s0] =	ssyncadd.tile.s32 @!p0 $0x1;
	_ =	shalt  }
.Lfunc_end2:
_tile_overlayer_lowered:
.L_overlay_start_2:
0xd7: {  	(tag) =	ssettag $0x2  }
0xd8: {  	s0 =	rddreg [dreg:$0x0];
	s2 =	stileid.u32  }
0xd9: {  	s1 =	rddreg [dreg:$0x1];
	p0 =	sne.s32 s2, $0x0  }
0xda: {  	s3 =	rddreg [dreg:$0x2];
	[bflag:$0x3] =	sbarrier.arrive $0xFFFF;
	s2 =	simm.s32 @!p0 $0x1C02  }
0xdb: {  	[timem:s3], [sflag:s2] =	dma.local @!p0 [hbm:s0], s1  }
0xdc: {  	s0 =	simm.s32 @!p0 $0x2  }
0xdd: {  	_ =	swait.ge @!p0 [sflag:s0], s1  }
0xde: {  	s1 =	ssub.s32 @!p0 $0x0, s1;
	[sflag:s0] =	ssyncset.done @!p0 $0x0  }
0xdf: {  	[sflag:s0] =	ssyncadd.s32 @!p0 s1  }
0xe0: {  	[bflag:$0x3] =	sbarrier.arrive $0xFFFF  }
0xe1: {  	_ =	shalt  }

</sc_bundles>
